<compile_context>
chip_gen: v7x
topology: tpu7x:2x2x1
jax: 0.10.2.dev20260603
libtpu: 0.0.44.dev20260713+nightly
codegen_flags: <defaults>
</compile_context>

<pallas_src>
import functools

import jax
import jax.numpy as jnp
from jax import lax
from jax.experimental import pallas as pl
from jax.experimental.pallas import tpu as pltpu
from jax.experimental.pallas import tpu_sc as plsc

_NUM_POINTS = 1000000
_PT_DIM = 64
_N_REP = 16384
_NC, _NS = 2, 16
_NW = _NC * _NS
_ROWS_PER_W = _N_REP // _NW
_CHUNK = 128
_CHUNKS_PER_W = _ROWS_PER_W // _CHUNK


@functools.cache
def _make_scatter():
    mesh = plsc.VectorSubcoreMesh(
        core_axis_name="c", subcore_axis_name="s", num_cores=_NC, num_subcores=_NS
    )

    @functools.partial(
        pl.kernel,
        mesh=mesh,
        compiler_params=pltpu.CompilerParams(
            use_tc_tiling_on_sc=False, skip_device_barrier=True
        ),
        scratch_types=[
            pltpu.VMEM((_CHUNKS_PER_W, _CHUNK), jnp.int32),
            pltpu.VMEM((_ROWS_PER_W, _PT_DIM), jnp.float32),
            pltpu.SemaphoreType.DMA,
        ],
    )
    def _scatter_rows(pts_ref, rv_hbm, idx_hbm, idx_v, rows_v, sem):
        w = lax.axis_index("s") * _NC + lax.axis_index("c")
        pltpu.sync_copy(idx_hbm.at[pl.ds(w * _CHUNKS_PER_W, _CHUNKS_PER_W)], idx_v)
        pltpu.sync_copy(rv_hbm.at[pl.ds(w * _ROWS_PER_W, _ROWS_PER_W)], rows_v)
        copies = [
            pltpu.async_copy(
                rows_v.at[pl.ds(j * _CHUNK, _CHUNK)],
                pts_ref.at[idx_v.at[j]],
                sem,
            )
            for j in range(_CHUNKS_PER_W)
        ]
        for c in copies:
            c.wait()

    return _scatter_rows


def kernel(pts, rand_vals, idx):
    idx2 = idx.astype(jnp.int32).reshape(_NW * _CHUNKS_PER_W, _CHUNK)
    pts_ref = jax.new_ref(pts)
    _make_scatter()(pts_ref, rand_vals, idx2)
    return jax.freeze(pts_ref)

# --- scband reference (transcript-rebuilt; emitter-appended) ---
"""Pipeline reference for scband-replace-random-point-35948876268004 (READ-ONLY COPY).

The authoritative reference and input builder live on the scoring server;
editing this copy changes nothing except your own understanding.
"""

import jax, jax.numpy as jnp
import numpy as np

NUM_POINTS = 1000000
PT_DIM = 64
NUM_TO_REPLACE = 16384
SCALE = 1.0


def setup_inputs(seed: int = 0) -> dict:
    key = jax.random.key(seed)
    k1, k2, k3 = jax.random.split(key, 3)
    pts = jax.random.normal(k1, (NUM_POINTS, PT_DIM), dtype=jnp.float32)
    # torch.randperm(pts.shape[0])[:num_to_replace] -> unique random indices
    perm = jax.random.permutation(k2, NUM_POINTS)
    idx = perm[:NUM_TO_REPLACE]
    # torch.rand(pt_sz) per replaced point, materialized as a batch
    rand_vals = jax.random.uniform(k3, (NUM_TO_REPLACE, PT_DIM), dtype=jnp.float32)
    return {"pts": pts, "rand_vals": rand_vals, "idx": idx}


def reference(pts, rand_vals, idx):
    # Faithful translation of ReplaceRandomPoint.forward:
    # for each selected row i: pts[i, :] = scale * rand(pt_sz)
    # Indices from randperm are unique, so the batched scatter-overwrite
    # is exactly equivalent to the sequential loop.
    new_pts = SCALE * rand_vals
    out = pts.at[idx].set(new_pts)
    return out

if __name__ == "__main__":
    import jax
    _d = setup_inputs()
    print(jax.jit(kernel)(*tuple(_d.values())))

</pallas_src>

<mosaic_0001>
#map = affine_map<(d0, d1) -> (0, 0)>
module attributes {stable_mosaic.version = 14 : i64} {
  func.func @new_body(%arg0: i32, %arg1: i32, %arg2: memref<1000000x64xf32, #tpu.memory_space<hbm>>, %arg3: memref<16384x64xf32, #tpu.memory_space<hbm>>, %arg4: memref<128x128xi32, #tpu.memory_space<hbm>>, %arg5: memref<1000000x64xf32, #tpu.memory_space<hbm>>, %arg6: memref<4x128xi32, #tpu.memory_space<vmem>>, %arg7: memref<512x64xf32, #tpu.memory_space<vmem>>, %arg8: memref<!tpu.dma_semaphore, #tpu.memory_space<semaphore_mem>>) attributes {dimension_semantics = [#tpu.dimension_semantics<core_parallel>, #tpu.dimension_semantics<subcore_parallel>], iteration_bounds = array<i64: 2, 16>, scalar_prefetch = 0 : i64, scratch_operands = 3 : i64, tpu.core_type = #tpu.core_type<sc_vector_subcore>, window_params = [{transform_indices = #map}, {transform_indices = #map}, {transform_indices = #map}, {transform_indices = #map}]} {
    %mul3A = arith.constant 2 : i32
    %mul3A_0 = arith.muli %arg1, %mul3A : i32
    %add3A = arith.addi %mul3A_0, %arg0 : i32
    %mul3A_1 = arith.constant 4 : i32
    %mul3A_2 = arith.muli %add3A, %mul3A_1 : i32
    "tpu.region"() ({
      %run_scoped3A = tpu.sem_alloc : memref<!tpu.dma_semaphore, #tpu.memory_space<semaphore_mem>>
      %dma_start3A_83 = arith.constant 0 : i32
      %dma_start3A_84 = tpu.memref_slice %arg4[%mul3A_2, %dma_start3A_83] : memref<128x128xi32, #tpu.memory_space<hbm>> -> memref<4x128xi32, #tpu.memory_space<hbm>>
      %dma_start3A_85 = arith.constant 0 : i32
      %dma_start3A_86 = tpu.memref_slice %arg4[%mul3A_2, %dma_start3A_85] : memref<128x128xi32, #tpu.memory_space<hbm>> -> memref<4x128xi32, #tpu.memory_space<hbm>>
      tpu.enqueue_dma source(%dma_start3A_86 : memref<4x128xi32, #tpu.memory_space<hbm>>) target(%arg6 : memref<4x128xi32, #tpu.memory_space<vmem>>) target_semaphore(%run_scoped3A : memref<!tpu.dma_semaphore, #tpu.memory_space<semaphore_mem>>)
      %dma_wait3A_87 = arith.constant 0 : i32
      %dma_wait3A_88 = tpu.memref_slice %arg4[%mul3A_2, %dma_wait3A_87] : memref<128x128xi32, #tpu.memory_space<hbm>> -> memref<4x128xi32, #tpu.memory_space<hbm>>
      %dma_wait3A_89 = arith.constant 0 : i32
      %dma_wait3A_90 = tpu.memref_slice %arg4[%mul3A_2, %dma_wait3A_89] : memref<128x128xi32, #tpu.memory_space<hbm>> -> memref<4x128xi32, #tpu.memory_space<hbm>>
      tpu.wait_dma2 semaphore(%run_scoped3A : memref<!tpu.dma_semaphore, #tpu.memory_space<semaphore_mem>>) src(%dma_wait3A_90 : memref<4x128xi32, #tpu.memory_space<hbm>>) dst(%arg6 : memref<4x128xi32, #tpu.memory_space<vmem>>)
      tpu.yield
    }) : () -> ()
    %mul3A_3 = arith.constant 512 : i32
    %mul3A_4 = arith.muli %add3A, %mul3A_3 : i32
    "tpu.region"() ({
      %run_scoped3A = tpu.sem_alloc : memref<!tpu.dma_semaphore, #tpu.memory_space<semaphore_mem>>
      %dma_start3A_83 = arith.constant 0 : i32
      %dma_start3A_84 = tpu.memref_slice %arg3[%mul3A_4, %dma_start3A_83] : memref<16384x64xf32, #tpu.memory_space<hbm>> -> memref<512x64xf32, #tpu.memory_space<hbm>>
      %dma_start3A_85 = arith.constant 0 : i32
      %dma_start3A_86 = tpu.memref_slice %arg3[%mul3A_4, %dma_start3A_85] : memref<16384x64xf32, #tpu.memory_space<hbm>> -> memref<512x64xf32, #tpu.memory_space<hbm>>
      tpu.enqueue_dma source(%dma_start3A_86 : memref<512x64xf32, #tpu.memory_space<hbm>>) target(%arg7 : memref<512x64xf32, #tpu.memory_space<vmem>>) target_semaphore(%run_scoped3A : memref<!tpu.dma_semaphore, #tpu.memory_space<semaphore_mem>>)
      %dma_wait3A_87 = arith.constant 0 : i32
      %dma_wait3A_88 = tpu.memref_slice %arg3[%mul3A_4, %dma_wait3A_87] : memref<16384x64xf32, #tpu.memory_space<hbm>> -> memref<512x64xf32, #tpu.memory_space<hbm>>
      %dma_wait3A_89 = arith.constant 0 : i32
      %dma_wait3A_90 = tpu.memref_slice %arg3[%mul3A_4, %dma_wait3A_89] : memref<16384x64xf32, #tpu.memory_space<hbm>> -> memref<512x64xf32, #tpu.memory_space<hbm>>
      tpu.wait_dma2 semaphore(%run_scoped3A : memref<!tpu.dma_semaphore, #tpu.memory_space<semaphore_mem>>) src(%dma_wait3A_90 : memref<512x64xf32, #tpu.memory_space<hbm>>) dst(%arg7 : memref<512x64xf32, #tpu.memory_space<vmem>>)
      tpu.yield
    }) : () -> ()
    %dma_start3A = arith.constant 0 : i32
    %dma_start3A_5 = arith.constant 0 : i32
    %dma_start3A_6 = arith.constant 0 : i32
    %dma_start3A_7 = tpu.memref_slice %arg7[%dma_start3A_5, %dma_start3A_6] : memref<512x64xf32, #tpu.memory_space<vmem>> -> memref<128x64xf32, #tpu.memory_space<vmem>>
    %dma_start3A_8 = arith.constant 0 : i32
    %dma_start3A_9 = tpu.memref_slice %arg6[%dma_start3A, %dma_start3A_8] : memref<4x128xi32, #tpu.memory_space<vmem>> -> memref<1x128xi32, #tpu.memory_space<vmem>>
    %dma_start3A_10 = tpu.memref_squeeze %dma_start3A_9 : memref<1x128xi32, #tpu.memory_space<vmem>> -> memref<128xi32, #tpu.memory_space<vmem>>
    %dma_start3A_11 = arith.constant 0 : i32
    %dma_start3A_12 = arith.constant 0 : i32
    %dma_start3A_13 = tpu.memref_slice %arg2[%dma_start3A_11, %dma_start3A_12] : memref<1000000x64xf32, #tpu.memory_space<hbm>> -> memref<1000000x64xf32, #tpu.memory_space<hbm>>
    tpu.enqueue_indirect_dma source(%dma_start3A_7 : memref<128x64xf32, #tpu.memory_space<vmem>>) target(%dma_start3A_13 : memref<1000000x64xf32, #tpu.memory_space<hbm>>) offsets(%dma_start3A_10 : memref<128xi32, #tpu.memory_space<vmem>>) semaphore(%arg8 : memref<!tpu.dma_semaphore, #tpu.memory_space<semaphore_mem>>)
    %dma_start3A_14 = arith.constant 1 : i32
    %dma_start3A_15 = arith.constant 128 : i32
    %dma_start3A_16 = arith.constant 0 : i32
    %dma_start3A_17 = tpu.memref_slice %arg7[%dma_start3A_15, %dma_start3A_16] : memref<512x64xf32, #tpu.memory_space<vmem>> -> memref<128x64xf32, #tpu.memory_space<vmem>>
    %dma_start3A_18 = arith.constant 0 : i32
    %dma_start3A_19 = tpu.memref_slice %arg6[%dma_start3A_14, %dma_start3A_18] : memref<4x128xi32, #tpu.memory_space<vmem>> -> memref<1x128xi32, #tpu.memory_space<vmem>>
    %dma_start3A_20 = tpu.memref_squeeze %dma_start3A_19 : memref<1x128xi32, #tpu.memory_space<vmem>> -> memref<128xi32, #tpu.memory_space<vmem>>
    %dma_start3A_21 = arith.constant 0 : i32
    %dma_start3A_22 = arith.constant 0 : i32
    %dma_start3A_23 = tpu.memref_slice %arg2[%dma_start3A_21, %dma_start3A_22] : memref<1000000x64xf32, #tpu.memory_space<hbm>> -> memref<1000000x64xf32, #tpu.memory_space<hbm>>
    tpu.enqueue_indirect_dma source(%dma_start3A_17 : memref<128x64xf32, #tpu.memory_space<vmem>>) target(%dma_start3A_23 : memref<1000000x64xf32, #tpu.memory_space<hbm>>) offsets(%dma_start3A_20 : memref<128xi32, #tpu.memory_space<vmem>>) semaphore(%arg8 : memref<!tpu.dma_semaphore, #tpu.memory_space<semaphore_mem>>)
    %dma_start3A_24 = arith.constant 2 : i32
    %dma_start3A_25 = arith.constant 256 : i32
    %dma_start3A_26 = arith.constant 0 : i32
    %dma_start3A_27 = tpu.memref_slice %arg7[%dma_start3A_25, %dma_start3A_26] : memref<512x64xf32, #tpu.memory_space<vmem>> -> memref<128x64xf32, #tpu.memory_space<vmem>>
    %dma_start3A_28 = arith.constant 0 : i32
    %dma_start3A_29 = tpu.memref_slice %arg6[%dma_start3A_24, %dma_start3A_28] : memref<4x128xi32, #tpu.memory_space<vmem>> -> memref<1x128xi32, #tpu.memory_space<vmem>>
    %dma_start3A_30 = tpu.memref_squeeze %dma_start3A_29 : memref<1x128xi32, #tpu.memory_space<vmem>> -> memref<128xi32, #tpu.memory_space<vmem>>
    %dma_start3A_31 = arith.constant 0 : i32
    %dma_start3A_32 = arith.constant 0 : i32
    %dma_start3A_33 = tpu.memref_slice %arg2[%dma_start3A_31, %dma_start3A_32] : memref<1000000x64xf32, #tpu.memory_space<hbm>> -> memref<1000000x64xf32, #tpu.memory_space<hbm>>
    tpu.enqueue_indirect_dma source(%dma_start3A_27 : memref<128x64xf32, #tpu.memory_space<vmem>>) target(%dma_start3A_33 : memref<1000000x64xf32, #tpu.memory_space<hbm>>) offsets(%dma_start3A_30 : memref<128xi32, #tpu.memory_space<vmem>>) semaphore(%arg8 : memref<!tpu.dma_semaphore, #tpu.memory_space<semaphore_mem>>)
    %dma_start3A_34 = arith.constant 3 : i32
    %dma_start3A_35 = arith.constant 384 : i32
    %dma_start3A_36 = arith.constant 0 : i32
    %dma_start3A_37 = tpu.memref_slice %arg7[%dma_start3A_35, %dma_start3A_36] : memref<512x64xf32, #tpu.memory_space<vmem>> -> memref<128x64xf32, #tpu.memory_space<vmem>>
    %dma_start3A_38 = arith.constant 0 : i32
    %dma_start3A_39 = tpu.memref_slice %arg6[%dma_start3A_34, %dma_start3A_38] : memref<4x128xi32, #tpu.memory_space<vmem>> -> memref<1x128xi32, #tpu.memory_space<vmem>>
    %dma_start3A_40 = tpu.memref_squeeze %dma_start3A_39 : memref<1x128xi32, #tpu.memory_space<vmem>> -> memref<128xi32, #tpu.memory_space<vmem>>
    %dma_start3A_41 = arith.constant 0 : i32
    %dma_start3A_42 = arith.constant 0 : i32
    %dma_start3A_43 = tpu.memref_slice %arg2[%dma_start3A_41, %dma_start3A_42] : memref<1000000x64xf32, #tpu.memory_space<hbm>> -> memref<1000000x64xf32, #tpu.memory_space<hbm>>
    tpu.enqueue_indirect_dma source(%dma_start3A_37 : memref<128x64xf32, #tpu.memory_space<vmem>>) target(%dma_start3A_43 : memref<1000000x64xf32, #tpu.memory_space<hbm>>) offsets(%dma_start3A_40 : memref<128xi32, #tpu.memory_space<vmem>>) semaphore(%arg8 : memref<!tpu.dma_semaphore, #tpu.memory_space<semaphore_mem>>)
    %dma_wait3A = arith.constant 0 : i32
    %dma_wait3A_44 = arith.constant 0 : i32
    %dma_wait3A_45 = arith.constant 0 : i32
    %dma_wait3A_46 = tpu.memref_slice %arg7[%dma_wait3A_44, %dma_wait3A_45] : memref<512x64xf32, #tpu.memory_space<vmem>> -> memref<128x64xf32, #tpu.memory_space<vmem>>
    %dma_wait3A_47 = arith.constant 0 : i32
    %dma_wait3A_48 = tpu.memref_slice %arg6[%dma_wait3A, %dma_wait3A_47] : memref<4x128xi32, #tpu.memory_space<vmem>> -> memref<1x128xi32, #tpu.memory_space<vmem>>
    %dma_wait3A_49 = tpu.memref_squeeze %dma_wait3A_48 : memref<1x128xi32, #tpu.memory_space<vmem>> -> memref<128xi32, #tpu.memory_space<vmem>>
    %dma_wait3A_50 = arith.constant 0 : i32
    %dma_wait3A_51 = arith.constant 0 : i32
    %dma_wait3A_52 = tpu.memref_slice %arg2[%dma_wait3A_50, %dma_wait3A_51] : memref<1000000x64xf32, #tpu.memory_space<hbm>> -> memref<1000000x64xf32, #tpu.memory_space<hbm>>
    tpu.wait_indirect_dma semaphore(%arg8 : memref<!tpu.dma_semaphore, #tpu.memory_space<semaphore_mem>>) src(%dma_wait3A_46 : memref<128x64xf32, #tpu.memory_space<vmem>>) dst(%dma_wait3A_52 : memref<1000000x64xf32, #tpu.memory_space<hbm>>)
    %dma_wait3A_53 = arith.constant 1 : i32
    %dma_wait3A_54 = arith.constant 128 : i32
    %dma_wait3A_55 = arith.constant 0 : i32
    %dma_wait3A_56 = tpu.memref_slice %arg7[%dma_wait3A_54, %dma_wait3A_55] : memref<512x64xf32, #tpu.memory_space<vmem>> -> memref<128x64xf32, #tpu.memory_space<vmem>>
    %dma_wait3A_57 = arith.constant 0 : i32
    %dma_wait3A_58 = tpu.memref_slice %arg6[%dma_wait3A_53, %dma_wait3A_57] : memref<4x128xi32, #tpu.memory_space<vmem>> -> memref<1x128xi32, #tpu.memory_space<vmem>>
    %dma_wait3A_59 = tpu.memref_squeeze %dma_wait3A_58 : memref<1x128xi32, #tpu.memory_space<vmem>> -> memref<128xi32, #tpu.memory_space<vmem>>
    %dma_wait3A_60 = arith.constant 0 : i32
    %dma_wait3A_61 = arith.constant 0 : i32
    %dma_wait3A_62 = tpu.memref_slice %arg2[%dma_wait3A_60, %dma_wait3A_61] : memref<1000000x64xf32, #tpu.memory_space<hbm>> -> memref<1000000x64xf32, #tpu.memory_space<hbm>>
    tpu.wait_indirect_dma semaphore(%arg8 : memref<!tpu.dma_semaphore, #tpu.memory_space<semaphore_mem>>) src(%dma_wait3A_56 : memref<128x64xf32, #tpu.memory_space<vmem>>) dst(%dma_wait3A_62 : memref<1000000x64xf32, #tpu.memory_space<hbm>>)
    %dma_wait3A_63 = arith.constant 2 : i32
    %dma_wait3A_64 = arith.constant 256 : i32
    %dma_wait3A_65 = arith.constant 0 : i32
    %dma_wait3A_66 = tpu.memref_slice %arg7[%dma_wait3A_64, %dma_wait3A_65] : memref<512x64xf32, #tpu.memory_space<vmem>> -> memref<128x64xf32, #tpu.memory_space<vmem>>
    %dma_wait3A_67 = arith.constant 0 : i32
    %dma_wait3A_68 = tpu.memref_slice %arg6[%dma_wait3A_63, %dma_wait3A_67] : memref<4x128xi32, #tpu.memory_space<vmem>> -> memref<1x128xi32, #tpu.memory_space<vmem>>
    %dma_wait3A_69 = tpu.memref_squeeze %dma_wait3A_68 : memref<1x128xi32, #tpu.memory_space<vmem>> -> memref<128xi32, #tpu.memory_space<vmem>>
    %dma_wait3A_70 = arith.constant 0 : i32
    %dma_wait3A_71 = arith.constant 0 : i32
    %dma_wait3A_72 = tpu.memref_slice %arg2[%dma_wait3A_70, %dma_wait3A_71] : memref<1000000x64xf32, #tpu.memory_space<hbm>> -> memref<1000000x64xf32, #tpu.memory_space<hbm>>
    tpu.wait_indirect_dma semaphore(%arg8 : memref<!tpu.dma_semaphore, #tpu.memory_space<semaphore_mem>>) src(%dma_wait3A_66 : memref<128x64xf32, #tpu.memory_space<vmem>>) dst(%dma_wait3A_72 : memref<1000000x64xf32, #tpu.memory_space<hbm>>)
    %dma_wait3A_73 = arith.constant 3 : i32
    %dma_wait3A_74 = arith.constant 384 : i32
    %dma_wait3A_75 = arith.constant 0 : i32
    %dma_wait3A_76 = tpu.memref_slice %arg7[%dma_wait3A_74, %dma_wait3A_75] : memref<512x64xf32, #tpu.memory_space<vmem>> -> memref<128x64xf32, #tpu.memory_space<vmem>>
    %dma_wait3A_77 = arith.constant 0 : i32
    %dma_wait3A_78 = tpu.memref_slice %arg6[%dma_wait3A_73, %dma_wait3A_77] : memref<4x128xi32, #tpu.memory_space<vmem>> -> memref<1x128xi32, #tpu.memory_space<vmem>>
    %dma_wait3A_79 = tpu.memref_squeeze %dma_wait3A_78 : memref<1x128xi32, #tpu.memory_space<vmem>> -> memref<128xi32, #tpu.memory_space<vmem>>
    %dma_wait3A_80 = arith.constant 0 : i32
    %dma_wait3A_81 = arith.constant 0 : i32
    %dma_wait3A_82 = tpu.memref_slice %arg2[%dma_wait3A_80, %dma_wait3A_81] : memref<1000000x64xf32, #tpu.memory_space<hbm>> -> memref<1000000x64xf32, #tpu.memory_space<hbm>>
    tpu.wait_indirect_dma semaphore(%arg8 : memref<!tpu.dma_semaphore, #tpu.memory_space<semaphore_mem>>) src(%dma_wait3A_76 : memref<128x64xf32, #tpu.memory_space<vmem>>) dst(%dma_wait3A_82 : memref<1000000x64xf32, #tpu.memory_space<hbm>>)
    return
  }
}

</mosaic_0001>

<sc_bundles>
// kernel: kernel.3.cloned.1.call-start
scs
__scs_entry_jumppad:
0x0: {  	(pc) =	sbr.rel $0x88, $3  }
0x1: {  	(tag) =	ssettag $0x0;
	lr =	simm.s32 $0x1  }
0x2: {  	[smem:$0x3F9E] =	sst lr;
	_ =	strace $0xD0000000  }
0x3: {  	_ = 	snop  }
0x4: {  	_ = 	snop  }
0x5: {  	_ = 	snop  }
0x6: {  	_ = 	snop  }
0x7: {  	_ = 	snop  }
__scs_overlays_trampoline_lowered:
0x8: {  	[smem:$0x3FAD] =	sst s0  }
0x9: {  	[smem:$0x3FAE] =	sst s1  }
0xa: {  	[smem:$0x3FAF] =	sst s2  }
0xb: {  	[smem:$0x3FB0] =	sst s3  }
0xc: {  	[smem:$0x3FB1] =	sst s4  }
0xd: {  	[smem:$0x3FB2] =	sst s5  }
0xe: {  	[smem:$0x3FB3] =	sst s6  }
0xf: {  	[smem:$0x3FB4] =	sst s7  }
0x10: {  	[smem:$0x3FB5] =	sst s8  }
0x11: {  	[smem:$0x3FB6] =	sst s9;
	s0 =	simm.s32 @!p0 $0x0  }
0x12: {  	s1 =	sld [smem:$0x3F9C];
	s0 =	simm.s32 @p0 $0x1  }
0x13: {  	[smem:$0x3FB7] =	sst s0;
	s0 =	simm.s32 @!p1 $0x0  }
0x14: {  	s2 =	sld [smem:$0x3F9B];
	s0 =	simm.s32 @p1 $0x1  }
0x15: {  	[smem:$0x3FB8] =	sst s0;
	s0 =	simm.s32 @!p2 $0x0  }
0x16: {  	s3 =	sld [smem:$0x3FDB];
	s0 =	simm.s32 @p2 $0x1  }
0x17: {  	s4 =	simm.s32 $0x1BF5;
	[smem:$0x3FBA] =	sst s0  }
0x18: {  	s0 =	sld [smem:$0x3F9D];
	_ =	swait.ge [sflag:s4], $0x0  }
0x19: {  	s7 =	sld [smem:$0x3F9E]  }
0x1a: {  	s8 =	sadd.s32 $0xFFFFE003, lr  }
0x1b: {  	s9 =	sadd.s32 $0xFFFFFEF7, lr;
	s5 =	simm.s32 $0xFFFFFFFF;
	p2 =	slt.u32 s8, $0xFFFFF086  }
0x1c: {  	p1 =	slt.u32 s9, $0xF7A;
	s5 =	simm.s32 @!p2 $0x0  }
0x1d: {  	s5 =	simm.s32 @p1 $0x1;
	p0 =	seq.s32 s7, s2  }
0x1e: {  	s7 =	smul.u32 @!p0 $0xF7A, s2;
	p2 =	seq.s32 @!p0 s5, $0x0  }
0x1f: {  	s9 =	smul.u32 $0xF7A, s1;
	s8 =	simm.s32 @!p0 $0x1BF5;
	p2 =	por !p2, p0  }
0x20: {  	[sflag:s8] =	ssyncset.s32 @!p0 $0xFFFFF086;
	s6 =	sadd.s32 @!p0 s3, s7;
	s7 =	simm.s32 @!p0 $0x108  }
0x21: {  	s3 =	sadd.s32 s3, s9;
	s6 =	sadd.s32 @!p0 $0x88, s6;
	s7 =	simm.s32 @p2 $0x1082  }
0x22: {  	[simem:s7], [sflag:s8] =	dma.local @!p0 [hbm:s6], $0xF7A  }
0x23: {  	s9 =	sor.u32 $0xD0000000, s2;
	s6 =	simm.s32 $0x108;
	_ =	swait.ge @!p0 [sflag:s8], $0x0  }
0x24: {  	s3 =	sadd.s32 $0x88, s3;
	s6 =	simm.s32 @!p1 $0x1082;
	[sflag:s4] =	ssyncset.s32 $0xFFFFF086  }
0x25: {  	[simem:s6], [sflag:s4] =	dma.local [hbm:s3], $0xF7A  }
0x26: {  	[smem:$0x3F9E] =	sst s1;
	(tag) =	ssettag s2;
	_ =	strace s9  }
0x27: {  	s1 =	sld [smem:$0x3FAE]  }
0x28: {  	s2 =	sld [smem:$0x3FAF]  }
0x29: {  	s4 =	sld [smem:$0x3FB1]  }
0x2a: {  	p0 =	seq.s32 s5, $0x0;
	s5 =	sld [smem:$0x3FB2]  }
0x2b: {  	s6 =	sld [smem:$0x3FB3]  }
0x2c: {  	s7 =	sld [smem:$0x3FB4]  }
0x2d: {  	s3 =	simm.s32 $0x108;
	s8 =	sld [smem:$0x3FB5]  }
0x2e: {  	s3 =	simm.s32 @!p0 $0x1082;
	s9 =	sld [smem:$0x3FB6]  }
0x2f: {  	lr =	sadd.s32 s0, s3;
	s0 =	sld [smem:$0x3FAD]  }
0x30: {  	s3 =	sld [smem:$0x3FB0]  }
0x31: {  	[smem:$0x3FB9] =	sst s10  }
0x32: {  	s10 =	sld [smem:$0x3FB7];
	_ =	sdelay $0x3  }
0x33: {  	p0 =	seq.s32 s10, $0x1;
	s10 =	sld [smem:$0x3FB9];
	_ =	sdelay $0x3  }
0x34: {  	[smem:$0x3FB9] =	sst s10  }
0x35: {  	s10 =	sld [smem:$0x3FB8];
	_ =	sdelay $0x3  }
0x36: {  	p1 =	seq.s32 s10, $0x1;
	s10 =	sld [smem:$0x3FB9];
	_ =	sdelay $0x3  }
0x37: {  	[smem:$0x3FB9] =	sst s10  }
0x38: {  	s10 =	sld [smem:$0x3FBA]  }
0x39: {  	_ = 	snop;
	(pc) =	sbr.ind lr, $3  }
0x3a: {  	_ = 	snop  }
0x3b: {  	_ = 	snop  }
0x3c: {  	p2 =	seq.s32 s10, $0x1;
	s10 =	sld [smem:$0x3FB9]  }
0x3d: {  	_ =	shalt  }
0x3e: {  	_ =	shalt  }
0x3f: {  	_ =	shalt  }
0x40: {  	_ =	shalt  }
0x41: {  	_ =	shalt  }
0x42: {  	_ =	shalt  }
0x43: {  	_ =	shalt  }
0x44: {  	_ =	shalt  }
0x45: {  	_ =	shalt  }
0x46: {  	_ =	shalt  }
0x47: {  	_ =	shalt  }
0x48: {  	_ =	shalt  }
0x49: {  	_ =	shalt  }
0x4a: {  	_ =	shalt  }
0x4b: {  	_ =	shalt  }
0x4c: {  	_ =	shalt  }
0x4d: {  	_ =	shalt  }
0x4e: {  	_ =	shalt  }
0x4f: {  	_ =	shalt  }
0x50: {  	_ =	shalt  }
0x51: {  	_ =	shalt  }
0x52: {  	_ =	shalt  }
0x53: {  	_ =	shalt  }
0x54: {  	_ =	shalt  }
0x55: {  	_ =	shalt  }
0x56: {  	_ =	shalt  }
0x57: {  	_ =	shalt  }
0x58: {  	_ =	shalt  }
0x59: {  	_ =	shalt  }
0x5a: {  	_ =	shalt  }
0x5b: {  	_ =	shalt  }
0x5c: {  	_ =	shalt  }
0x5d: {  	_ =	shalt  }
0x5e: {  	_ =	shalt  }
0x5f: {  	_ =	shalt  }
0x60: {  	_ =	shalt  }
0x61: {  	_ =	shalt  }
0x62: {  	_ =	shalt  }
0x63: {  	_ =	shalt  }
0x64: {  	_ =	shalt  }
0x65: {  	_ =	shalt  }
0x66: {  	_ =	shalt  }
0x67: {  	_ =	shalt  }
0x68: {  	_ =	shalt  }
0x69: {  	_ =	shalt  }
0x6a: {  	_ =	shalt  }
0x6b: {  	_ =	shalt  }
0x6c: {  	_ =	shalt  }
0x6d: {  	_ =	shalt  }
0x6e: {  	_ =	shalt  }
0x6f: {  	_ =	shalt  }
0x70: {  	_ =	shalt  }
0x71: {  	_ =	shalt  }
0x72: {  	_ =	shalt  }
0x73: {  	_ =	shalt  }
0x74: {  	_ =	shalt  }
0x75: {  	_ =	shalt  }
0x76: {  	_ =	shalt  }
0x77: {  	_ =	shalt  }
0x78: {  	_ =	shalt  }
0x79: {  	_ =	shalt  }
0x7a: {  	_ =	shalt  }
0x7b: {  	_ =	shalt  }
0x7c: {  	_ =	shalt  }
0x7d: {  	_ =	shalt  }
0x7e: {  	_ =	shalt  }
0x7f: {  	_ =	shalt  }
0x80: {  	_ =	shalt  }
0x81: {  	_ =	shalt  }
0x82: {  	_ =	shalt  }
0x83: {  	_ =	shalt  }
0x84: {  	_ =	shalt  }
0x85: {  	_ =	shalt  }
0x86: {  	_ =	shalt  }
0x87: {  	_ =	shalt  }
.Lfunc_end0:
.L_simem_size_0:
called_computation.1_lowered:
.L_overlay_start_0:
0x88: {  	s2 =	sld [smem:$0x3FD9]  }
0x89: {  	s3 =	sld [smem:$0x3FFE];
	_ =	sdelay $0x1  }
0x8a: {  	s1 =	srdreg.scid  }
0x8b: {  	s0 =	sand.u32 $0x1, s1  }
0x8c: {  	s17 =	sshll.u32 s0, $0xA;
	s2 =	sadd.s32 s3, s2  }
0x8d: {  	s2 =	sadd.s32 s2, s17  }
0x8e: {  	[smem:$0x3FC5] =	sst s2  }
0x8f: {  	_ = 	snop  }
0x90: {  	s2 =	sld [smem:$0x3FC7]  }
0x91: {  	s18 =	sld [smem:$0x3FD0];
	(tm) =	ssettm $0x1  }
0x92: {  	s4 =	sld [smem:$0x3FFB];
	_ =	sdelay $0x3  }
0x93: {  	_ =	strace s4  }
0x94: {  	s4 =	sld [smem:$0x3FFC];
	_ =	sdelay $0x3  }
0x95: {  	_ =	strace s4  }
0x96: {  	s4 =	sld [smem:$0x3FFD];
	_ =	sdelay $0x3  }
0x97: {  	_ =	strace s4  }
0x98: {  	_ =	strace $0x8FFFFFFF  }
0x99: {  	s19 =	sld [smem:$0x3FDB];
	_ =	sdelay $0x1  }
0x9a: {  	s5 =	simm.s32 $_scs_section_size  }
0x9b: {  	s6 =	simm.s32 $_size__tile_overlayer_lowered;
	s7 =	simm.s32 $_tile_overlayer_lowered  }
0x9c: {  	s22 =	simm.s32 $0x1BFF;
	s21 =	sshll.u32 s7, $0x1;
	s4 =	sadd.s32 s5, s19  }
0x9d: {  	s8 =	simm.s32 $0x0;
	s20 =	sshll.u32 s6, $0x1;
	s6 =	sadd.s32 s21, s4  }
0x9e: {  	[timem:s8], [sflag:s22] =	dma.local [hbm:s6], s20  }
0x9f: {  	_ =	swait.ge [sflag:s22], s20  }
0xa0: {  	s5 =	ssub.s32 $0x0, s20;
	[sflag:s22] =	ssyncset.done $0x0  }
0xa1: {  	[sflag:s22] =	ssyncadd.s32 s5;
	_ =	sdelay $0x1  }
0xa2: {  	s23 =	simm.s32 $0x1B8B  }
0xa3: {  	_ =	swait.ge [sflag:s23], $0x1  }
0xa4: {  	[sflag:s23] =	ssyncset.done $0x0  }
0xa5: {  	s25 =	simm.s32 $0x1B8E;
	s24 =	sld [smem:$0x3FFE];
	[sflag:s23] =	ssyncadd.s32 $0xFFFFFFFF  }
0xa6: {  	s26 =	simm.s32 $execute0_lowered;
	[smem:$0x3FD2] =	sst s25  }
0xa7: {  	s6 =	sshll.u32 s26, $0x1;
	_ =	strace $0x80000046;
	[dreg:$0x1] =	wrdreg $0xFFFFFFFF  }
0xa8: {  	s28 =	simm.s32 $_size_execute0_lowered;
	s4 =	sadd.s32 s4, s6;
	[dreg:$0x0] =	wrdreg $0x0  }
0xa9: {  	s6 =	sshll.u32 s28, $0x1;
	[dreg:$0x2] =	wrdreg s4  }
0xaa: {  	[dreg:$0x3] =	wrdreg s6  }
0xab: {  	[dreg:$0x4] =	wrdreg $0xC0  }
0xac: {  	_ =	task [dreg:s8], $0x5FFFF  }
0xad: {  	[dreg:$0x1] =	wrdreg $0xFFFFFFFF  }
0xae: {  	[dreg:$0x0] =	wrdreg $0x60  }
0xaf: {  	[dreg:$0x2] =	wrdreg s18  }
0xb0: {  	[dreg:$0x3] =	wrdreg s24  }
0xb1: {  	[dreg:$0x4] =	wrdreg s2  }
0xb2: {  	[dreg:$0x5] =	wrdreg $0x9  }
0xb3: {  	_ =	task.clear_ibuf [dreg:s8], $0x6FFFF;
	_ =	strace $0x90000046  }
0xb4: {  	s29 =	simm.s32 $0x9;
	_ =	strace $0x80000048  }
0xb5: {  	_ =	swait.ge [sflag:s29], $0x1  }
0xb6: {  	[sflag:s29] =	ssyncadd.s32 $0xFFFFFFFF  }
0xb7: {  	_ =	strace $0x90000048  }
0xb8: {  	_ =	sfence  }
0xb9: {  	s30 =	sld [smem:$0x0];
	_ =	sdelay $0x2  }
0xba: {  	s31 =	sshll.u32 s1, $0xD;
	s1 =	sshrl.u32 s1, $0x2  }
0xbb: {  	s3 =	sand.u32 $0x4000, s31;
	s1 =	sadd.s32 s1, s30  }
0xbc: {  	s0 =	sor.u32 s3, s0;
	s1 =	sshll.u32 s1, $0x11  }
0xbd: {  	s0 =	sor.u32 s1, s0  }
0xbe: {  	s0 =	sadd.s32 $0x8F2B, s0  }
0xbf: {  	[sflag:s0] =	ssyncadd.remote.s32 $0x1  }
0xc0: {  	_ =	sfence.sel $0xFFFF  }
0xc1: {  	[dreg:$0x0] =	wrdreg $0xFFFFFFFF;
	(pc) =	sbr.abs _section_cstart, $3  }
0xc2: {  	[dreg:$0x1] =	wrdreg $0xFFFFFFFF  }
0xc3: {  	_ =	task.clear_ibuf [dreg:s8], $0x2FFFF;
	_ =	strace $0x9FFFFFFF  }
0xc4: {  	(tm) =	ssettm $0x7FFFFFFF  }
0xc5: {  	_ =	shalt  }
tec
execute0_lowered:
.L_overlay_start_1:
0x0: {  	(tag) =	ssettag $0x1  }
0x1: {  	s2 =	rddreg [dreg:$0x0]  }
0x2: {  	s6 =	rddreg [dreg:$0x1]  }
0x3: {  	s1 =	srdreg.scid;
	s0 =	stileid.u32  }
0x4: {  	s4 =	rddreg [dreg:$0x2];
	s15 =	sand.u32 $0x1, s1;
	s5 =	sshll.u32 s0, $0x1  }
0x5: {  	s3 =	simm.s32 $0x0;
	s1 =	rddreg [dreg:$0x3];
	s7 =	sor.u32 s15, s5  }
0x6: {  	[smem:$0x7FF] =	sst s3;
	s5 =	sshll.u32 s7, $0x6  }
0x7: {  	_ =	strace $0x80000047;
	s4 =	sadd.s32 s4, s5;
	s5 =	simm.s32 $0x2  }
0x8: {  	[tilespmem:s3], [sflag:$0x2] =	stream.linear.gather [hbm4b:s4+s3], $0x200, $0x38;
	[tilespmem:$0x8200] =	vst v63  }
0x9: {  	s7 =	sshll.u32 s7, $0xC;
	_ =	swait.ge [sflag:s5], $0x200  }
0xa: {  	s6 =	sadd.s32 s7, s6;
	[sflag:s5] =	ssyncset.done $0x0  }
0xb: {  	s7 =	simm.s32 $0x200;
	s6 =	sadd.s32 $0xA00, s6;
	[sflag:s5] =	ssyncadd.s32 $0xFFFFFE00  }
0xc: {  	[tilespmem:s7], [sflag:$0x2] =	stream.linear.gather [hbm4b:s6+s3], $0x8000, $0x38;
	[tilespmem:$0x8200] =	vst v63  }
0xd: {  	_ =	swait.ge [sflag:s5], $0x8000  }
0xe: {  	[sflag:s5] =	ssyncset.done $0x0  }
0xf: {  	s8 =	simm.s32 $0x80;
	[sflag:s5] =	ssyncadd.s32 $0xFFFF8000  }
0x10: {  	[hbm4b:s2+s8] =	stream.indirect.scatter [tilespmem:s7], [sflag:$0x1], $0x40, s3, s8, $0xb8;
	[tilespmem:$0x8200] =	vst v63  }
0x11: {  	s9 =	simm.s32 $0x2200  }
0x12: {  	[hbm4b:s2+s8] =	stream.indirect.scatter [tilespmem:s9], [sflag:$0x1], $0x40, s8, s8, $0xb8;
	[tilespmem:$0x8200] =	vst v63  }
0x13: {  	s10 =	simm.s32 $0x100;
	s11 =	simm.s32 $0x4200  }
0x14: {  	[hbm4b:s2+s8] =	stream.indirect.scatter [tilespmem:s11], [sflag:$0x1], $0x40, s10, s8, $0xb8;
	[tilespmem:$0x8200] =	vst v63  }
0x15: {  	s12 =	simm.s32 $0x180;
	s14 =	simm.s32 $0x6200;
	s13 =	simm.s32 $0x1  }
0x16: {  	[hbm4b:s2+s8] =	stream.indirect.scatter [tilespmem:s14], [sflag:$0x1], $0x40, s12, s8, $0xb8;
	[tilespmem:$0x8200] =	vst v63  }
0x17: {  	_ =	swait.ge [sflag:s13], $0x2000  }
0x18: {  	s15 =	ssub.s32 $0x2, s15;
	[sflag:s13] =	ssyncset.done $0x0  }
0x19: {  	s16 =	sshrl.u32 s15, $0x1;
	[sflag:s13] =	ssyncadd.s32 $0xFFFFE000  }
0x1a: {  	s15 =	ssub.s32 s15, s16;
	_ =	swait.ge [sflag:s13], $0x2000  }
0x1b: {  	s15 =	smax.u32 s15, $0x1;
	[sflag:s13] =	ssyncset.done $0x0  }
0x1c: {  	p0 =	sne.s32 s15, $0x1;
	[sflag:s13] =	ssyncadd.s32 $0xFFFFE000  }
.Ltmp0:
0x1d: {  	_ =	swait.ge [sflag:s13], $0x2000;
	(pc) =	sbr.rel @!p0 .LBB2_2-.Ltmp0, $4  }
0x1e: {  	[sflag:s13] =	ssyncset.done $0x0  }
0x1f: {  	[sflag:s13] =	ssyncadd.s32 $0xFFFFE000  }
0x20: {  	_ =	swait.ge [sflag:s13], $0x2000  }
0x21: {  	s15 =	sadd.s32 $0xFFFFFFFF, s15;
	[sflag:s13] =	ssyncset.done $0x0  }
.LBB2_1:
0x22: {  	p0 =	sne.s32 s15, $0x1;
	s15 =	sadd.s32 $0xFFFFFFFF, s15;
	[sflag:s13] =	ssyncadd.s32 $0xFFFFE000  }
0x23: {  	[tilespmem:s3], [sflag:$0x2] =	stream.linear.gather [hbm4b:s4+s3], $0x200, $0x38;
	[tilespmem:$0x8200] =	vst v63  }
0x24: {  	_ =	swait.ge [sflag:s5], $0x200  }
0x25: {  	[sflag:s5] =	ssyncset.done $0x0  }
0x26: {  	[sflag:s5] =	ssyncadd.s32 $0xFFFFFE00  }
0x27: {  	[tilespmem:s7], [sflag:$0x2] =	stream.linear.gather [hbm4b:s6+s3], $0x8000, $0x38;
	[tilespmem:$0x8200] =	vst v63  }
0x28: {  	_ =	swait.ge [sflag:s5], $0x8000  }
0x29: {  	[sflag:s5] =	ssyncset.done $0x0  }
0x2a: {  	[sflag:s5] =	ssyncadd.s32 $0xFFFF8000  }
0x2b: {  	[hbm4b:s2+s8] =	stream.indirect.scatter [tilespmem:s7], [sflag:$0x1], $0x40, s3, s8, $0xb8;
	[tilespmem:$0x8200] =	vst v63  }
0x2c: {  	_ = 	snop  }
0x2d: {  	[hbm4b:s2+s8] =	stream.indirect.scatter [tilespmem:s9], [sflag:$0x1], $0x40, s8, s8, $0xb8;
	[tilespmem:$0x8200] =	vst v63  }
0x2e: {  	_ = 	snop  }
0x2f: {  	[hbm4b:s2+s8] =	stream.indirect.scatter [tilespmem:s11], [sflag:$0x1], $0x40, s10, s8, $0xb8;
	[tilespmem:$0x8200] =	vst v63  }
0x30: {  	_ = 	snop  }
0x31: {  	[hbm4b:s2+s8] =	stream.indirect.scatter [tilespmem:s14], [sflag:$0x1], $0x40, s12, s8, $0xb8;
	[tilespmem:$0x8200] =	vst v63  }
0x32: {  	_ =	swait.ge [sflag:s13], $0x2000  }
0x33: {  	[sflag:s13] =	ssyncset.done $0x0  }
0x34: {  	[sflag:s13] =	ssyncadd.s32 $0xFFFFE000  }
0x35: {  	_ =	swait.ge [sflag:s13], $0x2000  }
0x36: {  	[sflag:s13] =	ssyncset.done $0x0  }
0x37: {  	[sflag:s13] =	ssyncadd.s32 $0xFFFFE000  }
.Ltmp1:
0x38: {  	_ =	swait.ge [sflag:s13], $0x2000;
	(pc) =	sbr.rel @p0 .LBB2_1-.Ltmp1, $4  }
0x39: {  	[sflag:s13] =	ssyncset.done $0x0  }
0x3a: {  	[sflag:s13] =	ssyncadd.s32 $0xFFFFE000  }
0x3b: {  	_ =	swait.ge [sflag:s13], $0x2000  }
0x3c: {  	[sflag:s13] =	ssyncset.done $0x0  }
.LBB2_2:
0x3d: {  	[sflag:s13] =	ssyncadd.s32 $0xFFFFE000  }
0x3e: {  	_ =	sfence.sel $0x180000  }
0x3f: {  	[bflag:$0x0] =	sbarrier.arrive $0xFFFF  }
0x40: {  	p0 =	sne.s32 s0, $0x0;
	_ =	strace $0x90000047  }
0x41: {  	s0 =	sadd.s32 @!p0 $0x100000, s1;
	[bflag:$0x2] =	sbarrier.arrive $0xFFFF  }
0x42: {  	[sflag:s0] =	ssyncadd.tile.s32 @!p0 $0x1;
	_ =	shalt  }
.Lfunc_end2:
_tile_overlayer_lowered:
.L_overlay_start_2:
0x43: {  	(tag) =	ssettag $0x2  }
0x44: {  	s0 =	rddreg [dreg:$0x0];
	s2 =	stileid.u32  }
0x45: {  	s1 =	rddreg [dreg:$0x1];
	p0 =	sne.s32 s2, $0x0  }
0x46: {  	s3 =	rddreg [dreg:$0x2];
	[bflag:$0x3] =	sbarrier.arrive $0xFFFF;
	s2 =	simm.s32 @!p0 $0x1C02  }
0x47: {  	[timem:s3], [sflag:s2] =	dma.local @!p0 [hbm:s0], s1  }
0x48: {  	s0 =	simm.s32 @!p0 $0x2  }
0x49: {  	_ =	swait.ge @!p0 [sflag:s0], s1  }
0x4a: {  	s1 =	ssub.s32 @!p0 $0x0, s1;
	[sflag:s0] =	ssyncset.done @!p0 $0x0  }
0x4b: {  	[sflag:s0] =	ssyncadd.s32 @!p0 s1  }
0x4c: {  	[bflag:$0x3] =	sbarrier.arrive $0xFFFF  }
0x4d: {  	_ =	shalt  }

// kernel: sparse-core-data-format-call.cloned.1.call-start
scs
called_computation_lowered:
.L_overlay_start_0:
0x0: {  	s2 =	sld [smem:$0x3FD9]  }
0x1: {  	s3 =	sld [smem:$0x3FFE];
	_ =	sdelay $0x1  }
0x2: {  	s1 =	srdreg.scid  }
0x3: {  	s0 =	sand.u32 $0x1, s1  }
0x4: {  	s18 =	sshll.u32 s0, $0xA;
	s2 =	sadd.s32 s3, s2  }
0x5: {  	s2 =	sadd.s32 s2, s18  }
0x6: {  	[smem:$0x3FC5] =	sst s2  }
0x7: {  	_ = 	snop  }
0x8: {  	s2 =	sld [smem:$0x3FD0];
	(tm) =	ssettm $0x1  }
0x9: {  	s19 =	sld [smem:$0x3FFB];
	_ =	sdelay $0x3  }
0xa: {  	_ =	strace s19  }
0xb: {  	s3 =	sld [smem:$0x3FFC];
	_ =	sdelay $0x3  }
0xc: {  	_ =	strace s3  }
0xd: {  	s3 =	sld [smem:$0x3FFD];
	_ =	sdelay $0x3  }
0xe: {  	_ =	strace s3  }
0xf: {  	_ =	strace $0x8FFFFFFF  }
0x10: {  	s20 =	sld [smem:$0x3FDB];
	_ =	sdelay $0x1  }
0x11: {  	s4 =	simm.s32 $_scs_section_size  }
0x12: {  	s5 =	simm.s32 $_size__tile_overlayer_lowered;
	s6 =	simm.s32 $_tile_overlayer_lowered  }
0x13: {  	s23 =	simm.s32 $0x1BFF;
	s22 =	sshll.u32 s6, $0x1;
	s3 =	sadd.s32 s4, s20  }
0x14: {  	s7 =	simm.s32 $0x0;
	s21 =	sshll.u32 s5, $0x1;
	s5 =	sadd.s32 s22, s3  }
0x15: {  	[timem:s7], [sflag:s23] =	dma.local [hbm:s5], s21  }
0x16: {  	_ =	swait.ge [sflag:s23], s21  }
0x17: {  	s4 =	ssub.s32 $0x0, s21;
	[sflag:s23] =	ssyncset.done $0x0  }
0x18: {  	[sflag:s23] =	ssyncadd.s32 s4;
	_ =	sdelay $0x1  }
0x19: {  	s24 =	simm.s32 $0x1B8B  }
0x1a: {  	_ =	swait.ge [sflag:s24], $0x1  }
0x1b: {  	[sflag:s24] =	ssyncset.done $0x0  }
0x1c: {  	s26 =	simm.s32 $0x1B8E;
	s25 =	sld [smem:$0x3FFE];
	[sflag:s24] =	ssyncadd.s32 $0xFFFFFFFF  }
0x1d: {  	s27 =	simm.s32 $execute0_lowered;
	[smem:$0x3FD2] =	sst s26  }
0x1e: {  	s5 =	sshll.u32 s27, $0x1;
	_ =	strace $0x80000049;
	[dreg:$0x1] =	wrdreg $0xFFFFFFFF  }
0x1f: {  	s28 =	simm.s32 $_size_execute0_lowered;
	s3 =	sadd.s32 s3, s5;
	[dreg:$0x0] =	wrdreg $0x0  }
0x20: {  	s5 =	sshll.u32 s28, $0x1;
	[dreg:$0x2] =	wrdreg s3  }
0x21: {  	[dreg:$0x3] =	wrdreg s5  }
0x22: {  	[dreg:$0x4] =	wrdreg $0xC0  }
0x23: {  	_ =	task [dreg:s7], $0x5FFFF  }
0x24: {  	[dreg:$0x1] =	wrdreg $0xFFFFFFFF  }
0x25: {  	[dreg:$0x0] =	wrdreg $0x60  }
0x26: {  	[dreg:$0x2] =	wrdreg s25  }
0x27: {  	[dreg:$0x3] =	wrdreg s2  }
0x28: {  	[dreg:$0x4] =	wrdreg $0x9  }
0x29: {  	_ =	task.clear_ibuf [dreg:s7], $0x5FFFF;
	_ =	strace $0x90000049  }
0x2a: {  	s29 =	simm.s32 $0x9;
	_ =	strace $0x8000004B  }
0x2b: {  	_ =	swait.ge [sflag:s29], $0x1  }
0x2c: {  	[sflag:s29] =	ssyncadd.s32 $0xFFFFFFFF  }
0x2d: {  	_ =	strace $0x9000004B  }
0x2e: {  	_ =	sfence  }
0x2f: {  	s30 =	sld [smem:$0x0];
	_ =	sdelay $0x2  }
0x30: {  	s31 =	sshll.u32 s1, $0xD;
	s1 =	sshrl.u32 s1, $0x2  }
0x31: {  	s3 =	sand.u32 $0x4000, s31;
	s1 =	sadd.s32 s1, s30  }
0x32: {  	s0 =	sor.u32 s3, s0;
	s1 =	sshll.u32 s1, $0x11  }
0x33: {  	s0 =	sor.u32 s1, s0  }
0x34: {  	s0 =	sadd.s32 $0x8F2B, s0  }
0x35: {  	[sflag:s0] =	ssyncadd.remote.s32 $0x1  }
0x36: {  	_ =	sfence.sel $0xFFFF  }
0x37: {  	[dreg:$0x0] =	wrdreg $0xFFFFFFFF;
	(pc) =	sbr.abs _section_cstart, $3  }
0x38: {  	[dreg:$0x1] =	wrdreg $0xFFFFFFFF  }
0x39: {  	_ =	task.clear_ibuf [dreg:s7], $0x2FFFF;
	_ =	strace $0x9FFFFFFF  }
0x3a: {  	(tm) =	ssettm $0x7FFFFFFF  }
0x3b: {  	_ =	shalt  }
tec
execute0_lowered:
.L_overlay_start_1:
0x0: {  	(tag) =	ssettag $0x1  }
0x1: {  	s4 =	rddreg [dreg:$0x0]  }
0x2: {  	s0 =	srdreg.scid;
	s2 =	rddreg [dreg:$0x1]  }
0x3: {  	s1 =	stileid.u32;
	s5 =	simm.s32 $0x1;
	s0 =	sshll.u32 s0, $0x4  }
0x4: {  	s7 =	simm.s32 $0x2;
	s11 =	simm.s32 $0x0;
	s3 =	sand.u32 $0x10, s0  }
.Ltmp0:
0x5: {  	p0 =	por $0x0, $0x0;
	s3 =	sor.u32 s1, s3;
	(pc) =	sbr.rel .LBB1_1-.Ltmp0, $4  }
0x6: {  	s8 =	simm.s32 $0x7A1400;
	s10 =	simm.s32 $0x0;
	s3 =	sshll.u32 s3, $0x7  }
0x7: {  	s0 =	rddreg [dreg:$0x2];
	_ =	strace $0x8000004A;
	s6 =	ssub.s32 $0xF4200, s3  }
0x8: {  	s4 =	sadd.s32 $0xA00, s4;
	[sflag:s5] =	ssyncpa.u1 $0x0;
	s6 =	sshrl.u32 s6, $0xC  }
0x9: {  	[sflag:s7] =	ssyncpa.u1 $0x0;
	s9 =	smov.u32 s3;
	s7 =	sadd.s32 $0x2, s6  }
.LBB1_5:
0xa: {  	s13 =	sadd.s32 $0x1000, s9  }
0xb: {  	p2 =	sgt.s32 s13, $0xF423F  }
0xc: {  	s13 =	smov.u32 @p2 s3;
	p2 =	sne.s32 s10, s7  }
.Ltmp1:
0xd: {  	p1 =	slt.u32 s10, $0x2;
	(pc) =	sbr.rel @!p2 .LBB1_6-.Ltmp1, $4  }
0xe: {  	s12 =	simm.s32 @!p1 $0x2  }
0xf: {  	s14 =	sadd.s32 $0x1, s10;
	_ =	swait.ge @!p1 [sflag:s12], $0x2000  }
0x10: {  	s11 =	smov.u32 s9;
	p0 =	por !p0, !p0;
	[sflag:s12] =	ssyncset.done @!p1 $0x0  }
0x11: {  	s10 =	smov.u32 s14;
	s9 =	smov.u32 s13;
	[sflag:s12] =	ssyncadd.s32 @!p1 $0xFFFFE000  }
.LBB1_1:
0x12: {  	p1 =	sgt.u32 s10, s6  }
0x13: {  	s13 =	smov.u32 s9;
	p2 =	sgt.s32 @!p1 s9, $0xF41C0  }
0x14: {  	s12 =	sand.u32 @!p1 $0x1FFFFFF, s9;
	s14 =	sshra.s32 @!p1 s9, $0x1F;
	p2 =	por !p2, p1  }
0x15: {  	s15 =	smulhi.u32 @!p1 $0x218DEF5, s12;
	s14 =	sand.u32 @!p1 s14, s9;
	s13 =	simm.s32 @p2 $0xF41C0  }
0x16: {  	s13 =	ssub.s32 @!p1 s13, s14  }
0x17: {  	s14 =	sshrl.u32 @!p1 s15, $0xD;
	s13 =	sadd.s32 @!p1 $0xFFF0BE40, s13  }
0x18: {  	s15 =	sxor.u32 @!p1 $0xFFFFFFFF, s10;
	s14 =	smul.u32 @!p1 $0xF4240, s14;
	s16 =	sshll.u32 @!p1 s13, $0x8  }
0x19: {  	s15 =	sshll.u32 @!p1 s15, $0xD;
	p2 =	sgt.s32 @!p1 s13, $0x7F;
	s13 =	ssub.s32 @!p1 $0x8000, s16  }
0x1a: {  	s12 =	ssub.s32 @!p1 s12, s14;
	p2 =	por !p2, p1;
	s14 =	sand.u32 @!p1 $0x2000, s15  }
0x1b: {  	s15 =	simm.s32 @!p1 $0x40;
	s13 =	sshrl.u32 @!p1 s13, $0x2;
	s12 =	sshll.u32 @!p1 s12, $0x4  }
0x1c: {  	s16 =	simm.s32 @!p1 $0x80;
	s13 =	simm.s32 @!p2 $0x0;
	s12 =	sadd.s32 @!p1 s4, s12  }
0x1d: {  	[tilespmem:s14], [sflag:$0x1] =	stream.strided.gather @!p1 [hbm4b:s12+s15], s13, s16, s15, $0x38;
	[tilespmem:$0x8080] =	vst v63  }
0x1e: {  	p1 =	seq.s32 s10, $0x0  }
0x1f: {  	p2 =	sge.u32 @!p1 s10, s7  }
0x20: {  	p1 =	por p1, p2  }
.Ltmp2:
0x21: {  	_ = 	snop;
	(pc) =	sbr.rel @p1 .LBB1_5-.Ltmp2, $1  }
0x22: {  	_ =	sdelay $0x3  }
0x23: {  	p1 =	sgt.s32 s11, $0xF41C0;
	s12 =	smov.u32 s11;
	s13 =	sshra.s32 s11, $0x1F  }
0x24: {  	s12 =	simm.s32 @!p1 $0xF41C0;
	s13 =	sand.u32 s13, s11  }
0x25: {  	s12 =	ssub.s32 s12, s13  }
0x26: {  	s12 =	sadd.s32 $0xFFF0BE40, s12  }
0x27: {  	s28 =	sshll.u32 s12, $0x8  }
0x28: {  	s13 =	ssub.s32 $0x8000, s28  }
0x29: {  	p1 =	sgt.s32 s12, $0x7F;
	s12 =	sshrl.u32 s13, $0x2  }
0x2a: {  	s13 =	simm.s32 $0x1;
	s12 =	simm.s32 @p1 $0x0  }
0x2b: {  	s13 =	simm.s32 @!p0 $0x0;
	_ =	swait.ge [sflag:s5], s12  }
0x2c: {  	s14 =	sshll.u32 s13, $0xD;
	s12 =	ssub.s32 $0x0, s12;
	[sflag:s5] =	ssyncset.done $0x0  }
0x2d: {  	s16 =	sor.u32 $0x20, s14;
	[sflag:s5] =	ssyncadd.s32 s12  }
0x2e: {  	s29 =	smul.u32 $0x8100, s13;
	v3 =	vld [tilespmem:s16+$0x10]  }
0x2f: {  	s30 =	sand.u32 $0x1, s10;
	v2 =	vld [tilespmem:s16+$0xFFFFFFF0]  }
0x30: {  	s13 =	smul.u32 $0x8100, s30;
	s12 =	sshrl.u32 s29, $0x2;
	v0 =	vld [tilespmem:s16+$0x0]  }
0x31: {  	s14 =	sor.u32 $0x4000, s12;
	v1 =	vld [tilespmem:s16+$0xFFFFFFE0]  }
0x32: {  	s31 =	sshrl.u32 s13, $0x2;
	s13 =	sadd.s32 $0x0, s14  }
0x33: {  	s15 =	simm.s32 $0x4;
	s12 =	sor.u32 $0x4000, s31;
	s16 =	sadd.s32 $0x40, s16;
	[tilespmem:s13+$0x1830 ss:$0x81] =	vst.msk $0xffff, v3  }
.LBB1_3:
0x34: {  	v3 =	vld [tilespmem:s16+$0x10];
	p1 =	sne.s32 s15, $0x1FC;
	[tilespmem:s13+$0x810 ss:$0x81] =	vst.msk $0xffff, v2;
	s17 =	smov.u32 s15;
	s15 =	sadd.s32 $0x4, s15  }
.Ltmp3:
0x35: {  	v2 =	vld [tilespmem:s16+$0xFFFFFFF0];
	[tilespmem:s13+$0x1020 ss:$0x81] =	vst.msk $0xffff, v0;
	(pc) =	sbr.rel @p1 .LBB1_3-.Ltmp3, $4  }
0x36: {  	v0 =	vld [tilespmem:s16+$0x0];
	[tilespmem:s13+$0x0 ss:$0x81] =	vst.msk $0xffff, v1  }
0x37: {  	s13 =	sshra.s32 s17, $0x2;
	v1 =	vld [tilespmem:s16+$0xFFFFFFE0]  }
0x38: {  	s13 =	sadd.s32 s13, s14  }
0x39: {  	s16 =	sadd.s32 $0x40, s16;
	[tilespmem:s13+$0x1830 ss:$0x81] =	vst.msk $0xffff, v3  }
0x3a: {  	s14 =	sshll.u32 s11, $0x3  }
0x3b: {  	s30 =	sand.u32 $0x7F, s11;
	s14 =	sand.u32 $0xFFFFFC00, s14  }
0x3c: {  	s11 =	sor.u32 s30, s14  }
0x3d: {  	s15 =	smulhi.u32 $0x218D6287, s11;
	_ =	sdelay $0x1  }
0x3e: {  	s14 =	smulhi.u32 $0x218D6287, s14;
	s15 =	sshrl.u32 s15, $0x11  }
0x3f: {  	s15 =	smul.u32 $0xF4280, s15  }
0x40: {  	s14 =	sshrl.u32 s14, $0x11  }
.Ltmp4:
0x41: {  	s14 =	sand.u32 $0x3F, s14;
	s11 =	ssub.s32 s11, s15;
	(pc) =	sbr.rel .LBB1_5-.Ltmp4, $4  }
0x42: {  	[tilespmem:s13+$0x810 ss:$0x81] =	vst.msk $0xffff, v2;
	s14 =	smul.u32 $0x1E850, s14;
	s15 =	sshrl.u32 s11, $0x3;
	s11 =	sand.u32 $0x7, s11  }
0x43: {  	[tilespmem:s13+$0x1020 ss:$0x81] =	vst.msk $0xffff, v0;
	s15 =	sadd.s32 s2, s15;
	s11 =	sshll.u32 s11, $0x12  }
0x44: {  	[tilespmem:s13+$0x0 ss:$0x81] =	vst.msk $0xffff, v1;
	s31 =	sadd.s32 s14, s15;
	s11 =	sor.u32 $0x400, s11  }
0x45: {  	[hbm4b:s31+s11] =	stream.strided.scatter [tilespmem:s12], [sflag:$0x2], $0x2000, s8, s11, $0x20;
	[tilespmem:$0x8080] =	vst v63  }
.LBB1_6:
0x46: {  	_ =	sfence.sel $0x180000  }
0x47: {  	s2 =	simm.s32 $0x1;
	[bflag:$0x0] =	sbarrier.arrive $0xFFFF  }
0x48: {  	s31 =	simm.s32 $0x2;
	[sflag:s2] =	ssyncpa.u1 $0x1  }
0x49: {  	[sflag:s31] =	ssyncpa.u1 $0x1  }
0x4a: {  	p0 =	sne.s32 s1, $0x0;
	_ =	strace $0x9000004A  }
0x4b: {  	s0 =	sadd.s32 @!p0 $0x100000, s0;
	[bflag:$0x2] =	sbarrier.arrive $0xFFFF  }
0x4c: {  	[sflag:s0] =	ssyncadd.tile.s32 @!p0 $0x1;
	_ =	shalt  }
.Lfunc_end1:
_tile_overlayer_lowered:
.L_overlay_start_2:
0x4d: {  	(tag) =	ssettag $0x2  }
0x4e: {  	s0 =	rddreg [dreg:$0x0];
	s2 =	stileid.u32  }
0x4f: {  	s1 =	rddreg [dreg:$0x1];
	p0 =	sne.s32 s2, $0x0  }
0x50: {  	s3 =	rddreg [dreg:$0x2];
	[bflag:$0x3] =	sbarrier.arrive $0xFFFF;
	s2 =	simm.s32 @!p0 $0x1C01  }
0x51: {  	[timem:s3], [sflag:s2] =	dma.local @!p0 [hbm:s0], s1  }
0x52: {  	s0 =	simm.s32 @!p0 $0x1  }
0x53: {  	_ =	swait.ge @!p0 [sflag:s0], s1  }
0x54: {  	s1 =	ssub.s32 @!p0 $0x0, s1;
	[sflag:s0] =	ssyncset.done @!p0 $0x0  }
0x55: {  	[sflag:s0] =	ssyncadd.s32 @!p0 s1  }
0x56: {  	[bflag:$0x3] =	sbarrier.arrive $0xFFFF  }
0x57: {  	_ =	shalt  }

</sc_bundles>
